<compile_context>
chip_gen: v7x
topology: tpu7x:2x2x1
jax: 0.10.2.dev20260603
libtpu: 0.0.44.dev20260713+nightly
codegen_flags: <defaults>
</compile_context>

<pallas_src>
import functools

import jax
import jax.numpy as jnp
from jax import lax
from jax.experimental import pallas as pl
from jax.experimental.pallas import tpu as pltpu
from jax.experimental.pallas import tpu_sc as plsc

N_NODES = 10000
D_IN = 128
D_HID = 32
D_OUT = 128
E_EDGES = 320000

NC = 2
NS = 16
NW = NC * NS
CHUNK = 128
EPW = -(-E_EDGES // (NW * CHUNK)) * CHUNK
NCHUNK = EPW // CHUNK
E_PAD = NW * EPW
NP = 10240
ZROWS = NP // NS


def _mm_body(h_ref, w_ref, o_ref):
    o_ref[...] = jnp.dot(h_ref[...], w_ref[...],
                         preferred_element_type=jnp.float32)


def _project(h, W1):
    return pl.pallas_call(
        _mm_body,
        out_shape=jax.ShapeDtypeStruct((N_NODES, D_HID), jnp.float32),
    )(h, W1)


_sc_mesh = plsc.VectorSubcoreMesh(core_axis_name="c", subcore_axis_name="s")


@functools.partial(
    pl.kernel,
    out_type=(
        jax.ShapeDtypeStruct((NC, NP, D_HID), jnp.float32),
        jax.ShapeDtypeStruct((NC, NP), jnp.float32),
    ),
    mesh=_sc_mesh,
    compiler_params=pltpu.CompilerParams(use_tc_tiling_on_sc=False),
    scratch_types=[
        pltpu.VMEM((NCHUNK, CHUNK), jnp.int32),
        pltpu.VMEM((NCHUNK, CHUNK), jnp.int32),
        pltpu.VMEM((CHUNK, D_HID), jnp.float32),
        pltpu.VMEM((CHUNK,), jnp.float32),
        pltpu.VMEM((ZROWS, D_HID), jnp.float32),
        pltpu.VMEM((ZROWS,), jnp.float32),
        pltpu.VMEM_SHARED((NP, D_HID), jnp.float32),
        pltpu.VMEM_SHARED((NP,), jnp.float32),
    ],
)
def _sc_segment_sum(p_hbm, src_hbm, dst_hbm, z2_hbm, z1_hbm,
                    s_out, deg_out,
                    srcv, dstv, rows, onesv, zbuf2, zbufd, accs, accd):
    cid = lax.axis_index("c")
    sid = lax.axis_index("s")
    wid = cid * NS + sid

    pltpu.sync_copy(src_hbm.at[wid], srcv)
    pltpu.sync_copy(dst_hbm.at[wid], dstv)

    for t in range(CHUNK // 16):
        onesv[pl.ds(t * 16, 16)] = jnp.ones((16,), jnp.float32)

    pltpu.sync_copy(z2_hbm, zbuf2)
    pltpu.sync_copy(zbuf2, accs.at[pl.ds(sid * ZROWS, ZROWS)])
    pltpu.sync_copy(z1_hbm, zbufd)
    pltpu.sync_copy(zbufd, accd.at[pl.ds(sid * ZROWS, ZROWS)])
    plsc.subcore_barrier()

    def body(j, carry):
        pltpu.sync_copy(p_hbm.at[srcv.at[j]], rows)
        pltpu.sync_copy(rows, accs.at[dstv.at[j]], add=True)
        pltpu.sync_copy(onesv, accd.at[dstv.at[j]], add=True)
        return carry

    lax.fori_loop(0, NCHUNK, body, 0)
    plsc.subcore_barrier()

    @pl.when(sid == 0)
    def _():
        pltpu.sync_copy(accs, s_out.at[cid])
        pltpu.sync_copy(accd, deg_out.at[cid])


def _tail_body(sp_ref, dp_ref, p_ref, b1_ref, w2_ref, b2_ref, g_ref, bt_ref,
               o_ref):
    s = sp_ref[0, :N_NODES, :] + sp_ref[1, :N_NODES, :]
    deg = dp_ref[0, :N_NODES] + dp_ref[1, :N_NODES]
    invd = 1.0 / jnp.maximum(deg, 1.0)
    z1 = jnp.maximum(s * invd[:, None] + p_ref[...] + b1_ref[...], 0.0)
    z = jnp.dot(z1, w2_ref[...], preferred_element_type=jnp.float32)
    z = jnp.maximum(z + b2_ref[...], 0.0)
    mean = jnp.mean(z, axis=0, keepdims=True)
    var = jnp.mean((z - mean) ** 2, axis=0, keepdims=True)
    o_ref[...] = (z - mean) * lax.rsqrt(var + 1e-5) * g_ref[...] + bt_ref[...]


def _tail(s_parts, deg_parts, p, b1, W2, b2, gamma, beta):
    return pl.pallas_call(
        _tail_body,
        out_shape=jax.ShapeDtypeStruct((N_NODES, D_OUT), jnp.float32),
    )(s_parts, deg_parts, p, b1.reshape(1, -1), W2, b2.reshape(1, -1),
      gamma.reshape(1, -1), beta.reshape(1, -1))


def kernel(h, edge_index, W1, b1, W2, b2, gamma, beta):
    p = _project(h, W1)

    src = edge_index[0].astype(jnp.int32)
    dst = edge_index[1].astype(jnp.int32)
    pad = E_PAD - E_EDGES
    src_p = jnp.concatenate(
        [src, jnp.zeros((pad,), jnp.int32)]).reshape(NW, NCHUNK, CHUNK)
    dst_p = jnp.concatenate(
        [dst, jnp.full((pad,), N_NODES, jnp.int32)]).reshape(NW, NCHUNK, CHUNK)

    z2 = jnp.zeros((ZROWS, D_HID), jnp.float32)
    z1 = jnp.zeros((ZROWS,), jnp.float32)
    s_parts, deg_parts = _sc_segment_sum(p, src_p, dst_p, z2, z1)

    return _tail(s_parts, deg_parts, p, b1, W2, b2, gamma, beta)

# --- scband reference (transcript-rebuilt; emitter-appended) ---
"""Pipeline reference for scband-ginlayer-12506944766436 (READ-ONLY COPY).

The authoritative reference and input builder live on the scoring server;
editing this copy changes nothing except your own understanding.
"""

import jax, jax.numpy as jnp
import numpy as np

N = 10000
E = 320000
D = 128
H = 32
OUT = 128


def setup_inputs(seed: int = 0) -> dict:
    key = jax.random.key(seed)
    ks = jax.random.split(key, 8)
    h = jax.random.normal(ks[0], (N, D), dtype=jnp.float32)
    edge_index = jax.random.randint(ks[1], (2, E), 0, N)
    # MLP (2 layers): node_dim -> hidden_dim -> out_dim
    W1 = jax.random.normal(ks[2], (D, H), dtype=jnp.float32) * (1.0 / np.sqrt(D))
    b1 = jnp.zeros((H,), dtype=jnp.float32)
    W2 = jax.random.normal(ks[3], (H, OUT), dtype=jnp.float32) * (1.0 / np.sqrt(H))
    b2 = jnp.zeros((OUT,), dtype=jnp.float32)
    # BatchNorm1d affine params
    gamma = jnp.ones((OUT,), dtype=jnp.float32)
    beta = jnp.zeros((OUT,), dtype=jnp.float32)
    return {"h": h, "edge_index": edge_index, "W1": W1, "b1": b1, "W2": W2, "b2": b2, "gamma": gamma, "beta": beta}


def reference(h, edge_index, W1, b1, W2, b2, gamma, beta):
    src = edge_index[0]
    dst = edge_index[1]
    # message: gather source node features; reduce: mean over incoming edges
    msgs = jnp.take(h, src, axis=0)
    agg_sum = jax.ops.segment_sum(msgs, dst, num_segments=N)
    deg = jax.ops.segment_sum(jnp.ones((E,), dtype=h.dtype), dst, num_segments=N)
    agg = agg_sum / jnp.maximum(deg, 1.0)[:, None]
    # GIN-style update: h <- agg + h
    h_in = agg + h
    # MLP with relu activation, then final relu
    z = jnp.maximum(h_in @ W1 + b1, 0.0)
    z = z @ W2 + b2
    z = jnp.maximum(z, 0.0)
    # BatchNorm1d (training mode: batch statistics, biased variance)
    mean = jnp.mean(z, axis=0)
    var = jnp.var(z, axis=0)
    z = (z - mean) / jnp.sqrt(var + 1e-5) * gamma + beta
    return z

if __name__ == "__main__":
    import jax
    _d = setup_inputs()
    print(jax.jit(kernel)(*tuple(_d.values())))

</pallas_src>

<mosaic_0001>
#map = affine_map<(d0, d1) -> (0, 0)>
#map1 = affine_map<(d0, d1) -> (0, 0, 0)>
#map2 = affine_map<(d0, d1) -> (0)>
module attributes {stable_mosaic.version = 14 : i64} {
  func.func @_sc_segment_sum(%arg0: i32, %arg1: i32, %arg2: memref<10000x32xf32, #tpu.memory_space<hbm>>, %arg3: memref<32x79x128xi32, #tpu.memory_space<hbm>>, %arg4: memref<32x79x128xi32, #tpu.memory_space<hbm>>, %arg5: memref<640x32xf32, #tpu.memory_space<hbm>>, %arg6: memref<640xf32, #tpu.memory_space<hbm>>, %arg7: memref<2x10240x32xf32, #tpu.memory_space<hbm>>, %arg8: memref<2x10240xf32, #tpu.memory_space<hbm>>, %arg9: memref<79x128xi32, #tpu.memory_space<vmem>>, %arg10: memref<79x128xi32, #tpu.memory_space<vmem>>, %arg11: memref<128x32xf32, #tpu.memory_space<vmem>>, %arg12: memref<128xf32, #tpu.memory_space<vmem>>, %arg13: memref<640x32xf32, #tpu.memory_space<vmem>>, %arg14: memref<640xf32, #tpu.memory_space<vmem>>, %arg15: memref<10240x32xf32, #tpu.memory_space<vmem_shared>>, %arg16: memref<10240xf32, #tpu.memory_space<vmem_shared>>) attributes {dimension_semantics = [#tpu.dimension_semantics<core_parallel>, #tpu.dimension_semantics<subcore_parallel>], iteration_bounds = array<i64: 2, 16>, scalar_prefetch = 0 : i64, scratch_operands = 8 : i64, tpu.core_type = #tpu.core_type<sc_vector_subcore>, window_params = [{transform_indices = #map}, {transform_indices = #map1}, {transform_indices = #map1}, {transform_indices = #map}, {transform_indices = #map2}, {transform_indices = #map1}, {transform_indices = #map}]} {
    %mul3A = arith.constant 16 : i32
    %mul3A_0 = arith.muli %arg0, %mul3A : i32
    %add3A = arith.addi %mul3A_0, %arg1 : i32
    "tpu.region"() ({
      %run_scoped3A = tpu.sem_alloc : memref<!tpu.dma_semaphore, #tpu.memory_space<semaphore_mem>>
      %dma_start3A = arith.constant 0 : i32
      %dma_start3A_59 = arith.constant 0 : i32
      %dma_start3A_60 = tpu.memref_slice %arg3[%add3A, %dma_start3A, %dma_start3A_59] : memref<32x79x128xi32, #tpu.memory_space<hbm>> -> memref<1x79x128xi32, #tpu.memory_space<hbm>>
      %dma_start3A_61 = tpu.memref_squeeze %dma_start3A_60 : memref<1x79x128xi32, #tpu.memory_space<hbm>> -> memref<79x128xi32, #tpu.memory_space<hbm>>
      %dma_start3A_62 = arith.constant 0 : i32
      %dma_start3A_63 = arith.constant 0 : i32
      %dma_start3A_64 = tpu.memref_slice %arg3[%add3A, %dma_start3A_62, %dma_start3A_63] : memref<32x79x128xi32, #tpu.memory_space<hbm>> -> memref<1x79x128xi32, #tpu.memory_space<hbm>>
      %dma_start3A_65 = tpu.memref_squeeze %dma_start3A_64 : memref<1x79x128xi32, #tpu.memory_space<hbm>> -> memref<79x128xi32, #tpu.memory_space<hbm>>
      tpu.enqueue_dma source(%dma_start3A_65 : memref<79x128xi32, #tpu.memory_space<hbm>>) target(%arg9 : memref<79x128xi32, #tpu.memory_space<vmem>>) target_semaphore(%run_scoped3A : memref<!tpu.dma_semaphore, #tpu.memory_space<semaphore_mem>>)
      %dma_wait3A = arith.constant 0 : i32
      %dma_wait3A_66 = arith.constant 0 : i32
      %dma_wait3A_67 = tpu.memref_slice %arg3[%add3A, %dma_wait3A, %dma_wait3A_66] : memref<32x79x128xi32, #tpu.memory_space<hbm>> -> memref<1x79x128xi32, #tpu.memory_space<hbm>>
      %dma_wait3A_68 = tpu.memref_squeeze %dma_wait3A_67 : memref<1x79x128xi32, #tpu.memory_space<hbm>> -> memref<79x128xi32, #tpu.memory_space<hbm>>
      %dma_wait3A_69 = arith.constant 0 : i32
      %dma_wait3A_70 = arith.constant 0 : i32
      %dma_wait3A_71 = tpu.memref_slice %arg3[%add3A, %dma_wait3A_69, %dma_wait3A_70] : memref<32x79x128xi32, #tpu.memory_space<hbm>> -> memref<1x79x128xi32, #tpu.memory_space<hbm>>
      %dma_wait3A_72 = tpu.memref_squeeze %dma_wait3A_71 : memref<1x79x128xi32, #tpu.memory_space<hbm>> -> memref<79x128xi32, #tpu.memory_space<hbm>>
      tpu.wait_dma2 semaphore(%run_scoped3A : memref<!tpu.dma_semaphore, #tpu.memory_space<semaphore_mem>>) src(%dma_wait3A_72 : memref<79x128xi32, #tpu.memory_space<hbm>>) dst(%arg9 : memref<79x128xi32, #tpu.memory_space<vmem>>)
      tpu.yield
    }) : () -> ()
    "tpu.region"() ({
      %run_scoped3A = tpu.sem_alloc : memref<!tpu.dma_semaphore, #tpu.memory_space<semaphore_mem>>
      %dma_start3A = arith.constant 0 : i32
      %dma_start3A_59 = arith.constant 0 : i32
      %dma_start3A_60 = tpu.memref_slice %arg4[%add3A, %dma_start3A, %dma_start3A_59] : memref<32x79x128xi32, #tpu.memory_space<hbm>> -> memref<1x79x128xi32, #tpu.memory_space<hbm>>
      %dma_start3A_61 = tpu.memref_squeeze %dma_start3A_60 : memref<1x79x128xi32, #tpu.memory_space<hbm>> -> memref<79x128xi32, #tpu.memory_space<hbm>>
      %dma_start3A_62 = arith.constant 0 : i32
      %dma_start3A_63 = arith.constant 0 : i32
      %dma_start3A_64 = tpu.memref_slice %arg4[%add3A, %dma_start3A_62, %dma_start3A_63] : memref<32x79x128xi32, #tpu.memory_space<hbm>> -> memref<1x79x128xi32, #tpu.memory_space<hbm>>
      %dma_start3A_65 = tpu.memref_squeeze %dma_start3A_64 : memref<1x79x128xi32, #tpu.memory_space<hbm>> -> memref<79x128xi32, #tpu.memory_space<hbm>>
      tpu.enqueue_dma source(%dma_start3A_65 : memref<79x128xi32, #tpu.memory_space<hbm>>) target(%arg10 : memref<79x128xi32, #tpu.memory_space<vmem>>) target_semaphore(%run_scoped3A : memref<!tpu.dma_semaphore, #tpu.memory_space<semaphore_mem>>)
      %dma_wait3A = arith.constant 0 : i32
      %dma_wait3A_66 = arith.constant 0 : i32
      %dma_wait3A_67 = tpu.memref_slice %arg4[%add3A, %dma_wait3A, %dma_wait3A_66] : memref<32x79x128xi32, #tpu.memory_space<hbm>> -> memref<1x79x128xi32, #tpu.memory_space<hbm>>
      %dma_wait3A_68 = tpu.memref_squeeze %dma_wait3A_67 : memref<1x79x128xi32, #tpu.memory_space<hbm>> -> memref<79x128xi32, #tpu.memory_space<hbm>>
      %dma_wait3A_69 = arith.constant 0 : i32
      %dma_wait3A_70 = arith.constant 0 : i32
      %dma_wait3A_71 = tpu.memref_slice %arg4[%add3A, %dma_wait3A_69, %dma_wait3A_70] : memref<32x79x128xi32, #tpu.memory_space<hbm>> -> memref<1x79x128xi32, #tpu.memory_space<hbm>>
      %dma_wait3A_72 = tpu.memref_squeeze %dma_wait3A_71 : memref<1x79x128xi32, #tpu.memory_space<hbm>> -> memref<79x128xi32, #tpu.memory_space<hbm>>
      tpu.wait_dma2 semaphore(%run_scoped3A : memref<!tpu.dma_semaphore, #tpu.memory_space<semaphore_mem>>) src(%dma_wait3A_72 : memref<79x128xi32, #tpu.memory_space<hbm>>) dst(%arg10 : memref<79x128xi32, #tpu.memory_space<vmem>>)
      tpu.yield
    }) : () -> ()
    %broadcast_in_dim3A = arith.constant 1.000000e+00 : f32
    %broadcast_in_dim3A_1 = vector.broadcast %broadcast_in_dim3A : f32 to vector<16xf32>
    %swap3A = arith.constant 0 : index
    %swap3A_2 = tpu.vector_load %arg12[%swap3A] {strides = array<i32>} : memref<128xf32, #tpu.memory_space<vmem>>, vector<16xf32>,
    %swap3A_3 = vector.shape_cast %swap3A_2 : vector<16xf32> to vector<16xf32>
    %swap3A_4 = vector.shape_cast %broadcast_in_dim3A_1 : vector<16xf32> to vector<16xf32>
    tpu.vector_store %arg12[%swap3A], %swap3A_4 {strides = array<i32>} : memref<128xf32, #tpu.memory_space<vmem>>, vector<16xf32>,
    %broadcast_in_dim3A_5 = arith.constant 1.000000e+00 : f32
    %broadcast_in_dim3A_6 = vector.broadcast %broadcast_in_dim3A_5 : f32 to vector<16xf32>
    %swap3A_7 = arith.constant 16 : index
    %swap3A_8 = tpu.vector_load %arg12[%swap3A_7] {strides = array<i32>} : memref<128xf32, #tpu.memory_space<vmem>>, vector<16xf32>,
    %swap3A_9 = vector.shape_cast %swap3A_8 : vector<16xf32> to vector<16xf32>
    %swap3A_10 = vector.shape_cast %broadcast_in_dim3A_6 : vector<16xf32> to vector<16xf32>
    tpu.vector_store %arg12[%swap3A_7], %swap3A_10 {strides = array<i32>} : memref<128xf32, #tpu.memory_space<vmem>>, vector<16xf32>,
    %broadcast_in_dim3A_11 = arith.constant 1.000000e+00 : f32
    %broadcast_in_dim3A_12 = vector.broadcast %broadcast_in_dim3A_11 : f32 to vector<16xf32>
    %swap3A_13 = arith.constant 32 : index
    %swap3A_14 = tpu.vector_load %arg12[%swap3A_13] {strides = array<i32>} : memref<128xf32, #tpu.memory_space<vmem>>, vector<16xf32>,
    %swap3A_15 = vector.shape_cast %swap3A_14 : vector<16xf32> to vector<16xf32>
    %swap3A_16 = vector.shape_cast %broadcast_in_dim3A_12 : vector<16xf32> to vector<16xf32>
    tpu.vector_store %arg12[%swap3A_13], %swap3A_16 {strides = array<i32>} : memref<128xf32, #tpu.memory_space<vmem>>, vector<16xf32>,
    %broadcast_in_dim3A_17 = arith.constant 1.000000e+00 : f32
    %broadcast_in_dim3A_18 = vector.broadcast %broadcast_in_dim3A_17 : f32 to vector<16xf32>
    %swap3A_19 = arith.constant 48 : index
    %swap3A_20 = tpu.vector_load %arg12[%swap3A_19] {strides = array<i32>} : memref<128xf32, #tpu.memory_space<vmem>>, vector<16xf32>,
    %swap3A_21 = vector.shape_cast %swap3A_20 : vector<16xf32> to vector<16xf32>
    %swap3A_22 = vector.shape_cast %broadcast_in_dim3A_18 : vector<16xf32> to vector<16xf32>
    tpu.vector_store %arg12[%swap3A_19], %swap3A_22 {strides = array<i32>} : memref<128xf32, #tpu.memory_space<vmem>>, vector<16xf32>,
    %broadcast_in_dim3A_23 = arith.constant 1.000000e+00 : f32
    %broadcast_in_dim3A_24 = vector.broadcast %broadcast_in_dim3A_23 : f32 to vector<16xf32>
    %swap3A_25 = arith.constant 64 : index
    %swap3A_26 = tpu.vector_load %arg12[%swap3A_25] {strides = array<i32>} : memref<128xf32, #tpu.memory_space<vmem>>, vector<16xf32>,
    %swap3A_27 = vector.shape_cast %swap3A_26 : vector<16xf32> to vector<16xf32>
    %swap3A_28 = vector.shape_cast %broadcast_in_dim3A_24 : vector<16xf32> to vector<16xf32>
    tpu.vector_store %arg12[%swap3A_25], %swap3A_28 {strides = array<i32>} : memref<128xf32, #tpu.memory_space<vmem>>, vector<16xf32>,
    %broadcast_in_dim3A_29 = arith.constant 1.000000e+00 : f32
    %broadcast_in_dim3A_30 = vector.broadcast %broadcast_in_dim3A_29 : f32 to vector<16xf32>
    %swap3A_31 = arith.constant 80 : index
    %swap3A_32 = tpu.vector_load %arg12[%swap3A_31] {strides = array<i32>} : memref<128xf32, #tpu.memory_space<vmem>>, vector<16xf32>,
    %swap3A_33 = vector.shape_cast %swap3A_32 : vector<16xf32> to vector<16xf32>
    %swap3A_34 = vector.shape_cast %broadcast_in_dim3A_30 : vector<16xf32> to vector<16xf32>
    tpu.vector_store %arg12[%swap3A_31], %swap3A_34 {strides = array<i32>} : memref<128xf32, #tpu.memory_space<vmem>>, vector<16xf32>,
    %broadcast_in_dim3A_35 = arith.constant 1.000000e+00 : f32
    %broadcast_in_dim3A_36 = vector.broadcast %broadcast_in_dim3A_35 : f32 to vector<16xf32>
    %swap3A_37 = arith.constant 96 : index
    %swap3A_38 = tpu.vector_load %arg12[%swap3A_37] {strides = array<i32>} : memref<128xf32, #tpu.memory_space<vmem>>, vector<16xf32>,
    %swap3A_39 = vector.shape_cast %swap3A_38 : vector<16xf32> to vector<16xf32>
    %swap3A_40 = vector.shape_cast %broadcast_in_dim3A_36 : vector<16xf32> to vector<16xf32>
    tpu.vector_store %arg12[%swap3A_37], %swap3A_40 {strides = array<i32>} : memref<128xf32, #tpu.memory_space<vmem>>, vector<16xf32>,
    %broadcast_in_dim3A_41 = arith.constant 1.000000e+00 : f32
    %broadcast_in_dim3A_42 = vector.broadcast %broadcast_in_dim3A_41 : f32 to vector<16xf32>
    %swap3A_43 = arith.constant 112 : index
    %swap3A_44 = tpu.vector_load %arg12[%swap3A_43] {strides = array<i32>} : memref<128xf32, #tpu.memory_space<vmem>>, vector<16xf32>,
    %swap3A_45 = vector.shape_cast %swap3A_44 : vector<16xf32> to vector<16xf32>
    %swap3A_46 = vector.shape_cast %broadcast_in_dim3A_42 : vector<16xf32> to vector<16xf32>
    tpu.vector_store %arg12[%swap3A_43], %swap3A_46 {strides = array<i32>} : memref<128xf32, #tpu.memory_space<vmem>>, vector<16xf32>,
    "tpu.region"() ({
      %run_scoped3A = tpu.sem_alloc : memref<!tpu.dma_semaphore, #tpu.memory_space<semaphore_mem>>
      tpu.enqueue_dma source(%arg5 : memref<640x32xf32, #tpu.memory_space<hbm>>) target(%arg13 : memref<640x32xf32, #tpu.memory_space<vmem>>) target_semaphore(%run_scoped3A : memref<!tpu.dma_semaphore, #tpu.memory_space<semaphore_mem>>)
      tpu.wait_dma2 semaphore(%run_scoped3A : memref<!tpu.dma_semaphore, #tpu.memory_space<semaphore_mem>>) src(%arg5 : memref<640x32xf32, #tpu.memory_space<hbm>>) dst(%arg13 : memref<640x32xf32, #tpu.memory_space<vmem>>)
      tpu.yield
    }) : () -> ()
    %mul3A_47 = arith.constant 640 : i32
    %mul3A_48 = arith.muli %arg1, %mul3A_47 : i32
    "tpu.region"() ({
      %run_scoped3A = tpu.sem_alloc : memref<!tpu.dma_semaphore, #tpu.memory_space<semaphore_mem>>
      %dma_start3A = arith.constant 0 : i32
      %dma_start3A_59 = tpu.memref_slice %arg15[%mul3A_48, %dma_start3A] : memref<10240x32xf32, #tpu.memory_space<vmem_shared>> -> memref<640x32xf32, #tpu.memory_space<vmem_shared>>
      %dma_start3A_60 = arith.constant 0 : i32
      %dma_start3A_61 = tpu.memref_slice %arg15[%mul3A_48, %dma_start3A_60] : memref<10240x32xf32, #tpu.memory_space<vmem_shared>> -> memref<640x32xf32, #tpu.memory_space<vmem_shared>>
      tpu.enqueue_dma source(%arg13 : memref<640x32xf32, #tpu.memory_space<vmem>>) target(%dma_start3A_61 : memref<640x32xf32, #tpu.memory_space<vmem_shared>>) target_semaphore(%run_scoped3A : memref<!tpu.dma_semaphore, #tpu.memory_space<semaphore_mem>>)
      %dma_wait3A = arith.constant 0 : i32
      %dma_wait3A_62 = tpu.memref_slice %arg15[%mul3A_48, %dma_wait3A] : memref<10240x32xf32, #tpu.memory_space<vmem_shared>> -> memref<640x32xf32, #tpu.memory_space<vmem_shared>>
      %dma_wait3A_63 = arith.constant 0 : i32
      %dma_wait3A_64 = tpu.memref_slice %arg15[%mul3A_48, %dma_wait3A_63] : memref<10240x32xf32, #tpu.memory_space<vmem_shared>> -> memref<640x32xf32, #tpu.memory_space<vmem_shared>>
      tpu.wait_dma2 semaphore(%run_scoped3A : memref<!tpu.dma_semaphore, #tpu.memory_space<semaphore_mem>>) src(%arg13 : memref<640x32xf32, #tpu.memory_space<vmem>>) dst(%dma_wait3A_64 : memref<640x32xf32, #tpu.memory_space<vmem_shared>>)
      tpu.yield
    }) : () -> ()
    "tpu.region"() ({
      %run_scoped3A = tpu.sem_alloc : memref<!tpu.dma_semaphore, #tpu.memory_space<semaphore_mem>>
      tpu.enqueue_dma source(%arg6 : memref<640xf32, #tpu.memory_space<hbm>>) target(%arg14 : memref<640xf32, #tpu.memory_space<vmem>>) target_semaphore(%run_scoped3A : memref<!tpu.dma_semaphore, #tpu.memory_space<semaphore_mem>>)
      tpu.wait_dma2 semaphore(%run_scoped3A : memref<!tpu.dma_semaphore, #tpu.memory_space<semaphore_mem>>) src(%arg6 : memref<640xf32, #tpu.memory_space<hbm>>) dst(%arg14 : memref<640xf32, #tpu.memory_space<vmem>>)
      tpu.yield
    }) : () -> ()
    %mul3A_49 = arith.constant 640 : i32
    %mul3A_50 = arith.muli %arg1, %mul3A_49 : i32
    "tpu.region"() ({
      %run_scoped3A = tpu.sem_alloc : memref<!tpu.dma_semaphore, #tpu.memory_space<semaphore_mem>>
      %dma_start3A = tpu.memref_slice %arg16[%mul3A_50] : memref<10240xf32, #tpu.memory_space<vmem_shared>> -> memref<640xf32, #tpu.memory_space<vmem_shared>>
      %dma_start3A_59 = tpu.memref_slice %arg16[%mul3A_50] : memref<10240xf32, #tpu.memory_space<vmem_shared>> -> memref<640xf32, #tpu.memory_space<vmem_shared>>
      tpu.enqueue_dma source(%arg14 : memref<640xf32, #tpu.memory_space<vmem>>) target(%dma_start3A_59 : memref<640xf32, #tpu.memory_space<vmem_shared>>) target_semaphore(%run_scoped3A : memref<!tpu.dma_semaphore, #tpu.memory_space<semaphore_mem>>)
      %dma_wait3A = tpu.memref_slice %arg16[%mul3A_50] : memref<10240xf32, #tpu.memory_space<vmem_shared>> -> memref<640xf32, #tpu.memory_space<vmem_shared>>
      %dma_wait3A_60 = tpu.memref_slice %arg16[%mul3A_50] : memref<10240xf32, #tpu.memory_space<vmem_shared>> -> memref<640xf32, #tpu.memory_space<vmem_shared>>
      tpu.wait_dma2 semaphore(%run_scoped3A : memref<!tpu.dma_semaphore, #tpu.memory_space<semaphore_mem>>) src(%arg14 : memref<640xf32, #tpu.memory_space<vmem>>) dst(%dma_wait3A_60 : memref<640xf32, #tpu.memory_space<vmem_shared>>)
      tpu.yield
    }) : () -> ()
    %barrier3A = arith.constant 0 : index
    tpu.barrier barrier_id(%barrier3A)
    %scan3A = arith.constant 0 : i32
    %scan3A_51 = arith.constant 0 : i32
    %scan3A_52 = arith.constant 79 : i32
    %scan3A_53 = arith.addi %scan3A_51, %scan3A_52 : i32
    %scan3A_54 = arith.constant 1 : i32
    scf.for %scan3A_59 = %scan3A_51 to %scan3A_53 step %scan3A_54  : i32 {
      "tpu.region"() ({
        %run_scoped3A = tpu.sem_alloc : memref<!tpu.dma_semaphore, #tpu.memory_space<semaphore_mem>>
        %dma_start3A = arith.constant 0 : i32
        %dma_start3A_60 = tpu.memref_slice %arg9[%scan3A_59, %dma_start3A] : memref<79x128xi32, #tpu.memory_space<vmem>> -> memref<1x128xi32, #tpu.memory_space<vmem>>
        %dma_start3A_61 = tpu.memref_squeeze %dma_start3A_60 : memref<1x128xi32, #tpu.memory_space<vmem>> -> memref<128xi32, #tpu.memory_space<vmem>>
        %dma_start3A_62 = arith.constant 0 : i32
        %dma_start3A_63 = arith.constant 0 : i32
        %dma_start3A_64 = tpu.memref_slice %arg2[%dma_start3A_62, %dma_start3A_63] : memref<10000x32xf32, #tpu.memory_space<hbm>> -> memref<10000x32xf32, #tpu.memory_space<hbm>>
        tpu.enqueue_indirect_dma source(%dma_start3A_64 : memref<10000x32xf32, #tpu.memory_space<hbm>>) target(%arg11 : memref<128x32xf32, #tpu.memory_space<vmem>>) offsets(%dma_start3A_61 : memref<128xi32, #tpu.memory_space<vmem>>) semaphore(%run_scoped3A : memref<!tpu.dma_semaphore, #tpu.memory_space<semaphore_mem>>)
        %dma_wait3A = arith.constant 0 : i32
        %dma_wait3A_65 = tpu.memref_slice %arg9[%scan3A_59, %dma_wait3A] : memref<79x128xi32, #tpu.memory_space<vmem>> -> memref<1x128xi32, #tpu.memory_space<vmem>>
        %dma_wait3A_66 = tpu.memref_squeeze %dma_wait3A_65 : memref<1x128xi32, #tpu.memory_space<vmem>> -> memref<128xi32, #tpu.memory_space<vmem>>
        %dma_wait3A_67 = arith.constant 0 : i32
        %dma_wait3A_68 = arith.constant 0 : i32
        %dma_wait3A_69 = tpu.memref_slice %arg2[%dma_wait3A_67, %dma_wait3A_68] : memref<10000x32xf32, #tpu.memory_space<hbm>> -> memref<10000x32xf32, #tpu.memory_space<hbm>>
        tpu.wait_indirect_dma semaphore(%run_scoped3A : memref<!tpu.dma_semaphore, #tpu.memory_space<semaphore_mem>>) src(%dma_wait3A_69 : memref<10000x32xf32, #tpu.memory_space<hbm>>) dst(%arg11 : memref<128x32xf32, #tpu.memory_space<vmem>>)
        tpu.yield
      }) : () -> ()
      "tpu.region"() ({
        %run_scoped3A = tpu.sem_alloc : memref<!tpu.dma_semaphore, #tpu.memory_space<semaphore_mem>>
        %dma_start3A = arith.constant 0 : i32
        %dma_start3A_60 = tpu.memref_slice %arg10[%scan3A_59, %dma_start3A] : memref<79x128xi32, #tpu.memory_space<vmem>> -> memref<1x128xi32, #tpu.memory_space<vmem>>
        %dma_start3A_61 = tpu.memref_squeeze %dma_start3A_60 : memref<1x128xi32, #tpu.memory_space<vmem>> -> memref<128xi32, #tpu.memory_space<vmem>>
        %dma_start3A_62 = arith.constant 0 : i32
        %dma_start3A_63 = arith.constant 0 : i32
        %dma_start3A_64 = tpu.memref_slice %arg15[%dma_start3A_62, %dma_start3A_63] : memref<10240x32xf32, #tpu.memory_space<vmem_shared>> -> memref<10240x32xf32, #tpu.memory_space<vmem_shared>>
        tpu.enqueue_indirect_dma source(%arg11 : memref<128x32xf32, #tpu.memory_space<vmem>>) target(%dma_start3A_64 : memref<10240x32xf32, #tpu.memory_space<vmem_shared>>) offsets(%dma_start3A_61 : memref<128xi32, #tpu.memory_space<vmem>>) semaphore(%run_scoped3A : memref<!tpu.dma_semaphore, #tpu.memory_space<semaphore_mem>>) {add = true}
        %dma_wait3A = arith.constant 0 : i32
        %dma_wait3A_65 = tpu.memref_slice %arg10[%scan3A_59, %dma_wait3A] : memref<79x128xi32, #tpu.memory_space<vmem>> -> memref<1x128xi32, #tpu.memory_space<vmem>>
        %dma_wait3A_66 = tpu.memref_squeeze %dma_wait3A_65 : memref<1x128xi32, #tpu.memory_space<vmem>> -> memref<128xi32, #tpu.memory_space<vmem>>
        %dma_wait3A_67 = arith.constant 0 : i32
        %dma_wait3A_68 = arith.constant 0 : i32
        %dma_wait3A_69 = tpu.memref_slice %arg15[%dma_wait3A_67, %dma_wait3A_68] : memref<10240x32xf32, #tpu.memory_space<vmem_shared>> -> memref<10240x32xf32, #tpu.memory_space<vmem_shared>>
        tpu.wait_indirect_dma semaphore(%run_scoped3A : memref<!tpu.dma_semaphore, #tpu.memory_space<semaphore_mem>>) src(%arg11 : memref<128x32xf32, #tpu.memory_space<vmem>>) dst(%dma_wait3A_69 : memref<10240x32xf32, #tpu.memory_space<vmem_shared>>)
        tpu.yield
      }) : () -> ()
      "tpu.region"() ({
        %run_scoped3A = tpu.sem_alloc : memref<!tpu.dma_semaphore, #tpu.memory_space<semaphore_mem>>
        %dma_start3A = arith.constant 0 : i32
        %dma_start3A_60 = tpu.memref_slice %arg10[%scan3A_59, %dma_start3A] : memref<79x128xi32, #tpu.memory_space<vmem>> -> memref<1x128xi32, #tpu.memory_space<vmem>>
        %dma_start3A_61 = tpu.memref_squeeze %dma_start3A_60 : memref<1x128xi32, #tpu.memory_space<vmem>> -> memref<128xi32, #tpu.memory_space<vmem>>
        %dma_start3A_62 = arith.constant 0 : i32
        %dma_start3A_63 = tpu.memref_slice %arg16[%dma_start3A_62] : memref<10240xf32, #tpu.memory_space<vmem_shared>> -> memref<10240xf32, #tpu.memory_space<vmem_shared>>
        tpu.enqueue_indirect_dma source(%arg12 : memref<128xf32, #tpu.memory_space<vmem>>) target(%dma_start3A_63 : memref<10240xf32, #tpu.memory_space<vmem_shared>>) offsets(%dma_start3A_61 : memref<128xi32, #tpu.memory_space<vmem>>) semaphore(%run_scoped3A : memref<!tpu.dma_semaphore, #tpu.memory_space<semaphore_mem>>) {add = true}
        %dma_wait3A = arith.constant 0 : i32
        %dma_wait3A_64 = tpu.memref_slice %arg10[%scan3A_59, %dma_wait3A] : memref<79x128xi32, #tpu.memory_space<vmem>> -> memref<1x128xi32, #tpu.memory_space<vmem>>
        %dma_wait3A_65 = tpu.memref_squeeze %dma_wait3A_64 : memref<1x128xi32, #tpu.memory_space<vmem>> -> memref<128xi32, #tpu.memory_space<vmem>>
        %dma_wait3A_66 = arith.constant 0 : i32
        %dma_wait3A_67 = tpu.memref_slice %arg16[%dma_wait3A_66] : memref<10240xf32, #tpu.memory_space<vmem_shared>> -> memref<10240xf32, #tpu.memory_space<vmem_shared>>
        tpu.wait_indirect_dma semaphore(%run_scoped3A : memref<!tpu.dma_semaphore, #tpu.memory_space<semaphore_mem>>) src(%arg12 : memref<128xf32, #tpu.memory_space<vmem>>) dst(%dma_wait3A_67 : memref<10240xf32, #tpu.memory_space<vmem_shared>>)
        tpu.yield
      }) : () -> ()
    }
    %scan3A_55 = arith.constant 79 : i32
    %barrier3A_56 = arith.constant 0 : index
    tpu.barrier barrier_id(%barrier3A_56)
    %eq3A = arith.constant 0 : i32
    %eq3A_57 = arith.cmpi eq, %arg1, %eq3A : i32
    %convert_element_type3A = arith.extui %eq3A_57 : i1 to i32
    %cond3A = arith.constant 0 : i32
    %cond3A_58 = arith.cmpi ne, %convert_element_type3A, %cond3A : i32
    scf.if %cond3A_58 {
      "tpu.region"() ({
        %run_scoped3A = tpu.sem_alloc : memref<!tpu.dma_semaphore, #tpu.memory_space<semaphore_mem>>
        %dma_start3A = arith.constant 0 : i32
        %dma_start3A_59 = arith.constant 0 : i32
        %dma_start3A_60 = tpu.memref_slice %arg7[%arg0, %dma_start3A, %dma_start3A_59] : memref<2x10240x32xf32, #tpu.memory_space<hbm>> -> memref<1x10240x32xf32, #tpu.memory_space<hbm>>
        %dma_start3A_61 = tpu.memref_squeeze %dma_start3A_60 : memref<1x10240x32xf32, #tpu.memory_space<hbm>> -> memref<10240x32xf32, #tpu.memory_space<hbm>>
        tpu.enqueue_dma source(%arg15 : memref<10240x32xf32, #tpu.memory_space<vmem_shared>>) target(%dma_start3A_61 : memref<10240x32xf32, #tpu.memory_space<hbm>>) target_semaphore(%run_scoped3A : memref<!tpu.dma_semaphore, #tpu.memory_space<semaphore_mem>>)
        %dma_wait3A = arith.constant 0 : i32
        %dma_wait3A_62 = arith.constant 0 : i32
        %dma_wait3A_63 = tpu.memref_slice %arg7[%arg0, %dma_wait3A, %dma_wait3A_62] : memref<2x10240x32xf32, #tpu.memory_space<hbm>> -> memref<1x10240x32xf32, #tpu.memory_space<hbm>>
        %dma_wait3A_64 = tpu.memref_squeeze %dma_wait3A_63 : memref<1x10240x32xf32, #tpu.memory_space<hbm>> -> memref<10240x32xf32, #tpu.memory_space<hbm>>
        tpu.wait_dma2 semaphore(%run_scoped3A : memref<!tpu.dma_semaphore, #tpu.memory_space<semaphore_mem>>) src(%arg15 : memref<10240x32xf32, #tpu.memory_space<vmem_shared>>) dst(%dma_wait3A_64 : memref<10240x32xf32, #tpu.memory_space<hbm>>)
        tpu.yield
      }) : () -> ()
      "tpu.region"() ({
        %run_scoped3A = tpu.sem_alloc : memref<!tpu.dma_semaphore, #tpu.memory_space<semaphore_mem>>
        %dma_start3A = arith.constant 0 : i32
        %dma_start3A_59 = tpu.memref_slice %arg8[%arg0, %dma_start3A] : memref<2x10240xf32, #tpu.memory_space<hbm>> -> memref<1x10240xf32, #tpu.memory_space<hbm>>
        %dma_start3A_60 = tpu.memref_squeeze %dma_start3A_59 : memref<1x10240xf32, #tpu.memory_space<hbm>> -> memref<10240xf32, #tpu.memory_space<hbm>>
        tpu.enqueue_dma source(%arg16 : memref<10240xf32, #tpu.memory_space<vmem_shared>>) target(%dma_start3A_60 : memref<10240xf32, #tpu.memory_space<hbm>>) target_semaphore(%run_scoped3A : memref<!tpu.dma_semaphore, #tpu.memory_space<semaphore_mem>>)
        %dma_wait3A = arith.constant 0 : i32
        %dma_wait3A_61 = tpu.memref_slice %arg8[%arg0, %dma_wait3A] : memref<2x10240xf32, #tpu.memory_space<hbm>> -> memref<1x10240xf32, #tpu.memory_space<hbm>>
        %dma_wait3A_62 = tpu.memref_squeeze %dma_wait3A_61 : memref<1x10240xf32, #tpu.memory_space<hbm>> -> memref<10240xf32, #tpu.memory_space<hbm>>
        tpu.wait_dma2 semaphore(%run_scoped3A : memref<!tpu.dma_semaphore, #tpu.memory_space<semaphore_mem>>) src(%arg16 : memref<10240xf32, #tpu.memory_space<vmem_shared>>) dst(%dma_wait3A_62 : memref<10240xf32, #tpu.memory_space<hbm>>)
        tpu.yield
      }) : () -> ()
    } else {
    }
    return
  }
}

module attributes {stable_mosaic.version = 14 : i64} {
  func.func @_mm_body(%arg0: memref<10000x128xf32, #tpu.memory_space<vmem>>, %arg1: memref<128x32xf32, #tpu.memory_space<vmem>>, %arg2: memref<10000x32xf32, #tpu.memory_space<vmem>>) attributes {dimension_semantics = [], scalar_prefetch = 0 : i64, scratch_operands = 0 : i64, tpu.core_type = #tpu.core_type<tc>} {
    %get3A = arith.constant 0 : index
    %get3A_0 = arith.constant 0 : index
    %get3A_1 = vector.load %arg0[%get3A, %get3A_0] : memref<10000x128xf32, #tpu.memory_space<vmem>>, vector<10000x128xf32>
    %get3A_2 = arith.constant 0 : index
    %get3A_3 = arith.constant 0 : index
    %get3A_4 = vector.load %arg1[%get3A_2, %get3A_3] : memref<128x32xf32, #tpu.memory_space<vmem>>, vector<128x32xf32>
    %dot_general3A = arith.constant dense<0.000000e+00> : vector<10000x32xf32>
    %dot_general3A_5 = tpu.matmul %get3A_1, %get3A_4, %dot_general3A {dimension_numbers = #tpu.dot_dimension_numbers<[1], [0], [0], [1], [0, 0, 1, 1], [], []>, transpose_lhs_hint = false} : vector<10000x128xf32>, vector<128x32xf32>, vector<10000x32xf32> -> vector<10000x32xf32>
    %swap3A = arith.constant 0 : index
    %swap3A_6 = arith.constant 0 : index
    %swap3A_7 = vector.load %arg2[%swap3A, %swap3A_6] : memref<10000x32xf32, #tpu.memory_space<vmem>>, vector<10000x32xf32>
    tpu.vector_store %arg2[%swap3A, %swap3A_6], %dot_general3A_5 {strides = array<i32>} : memref<10000x32xf32, #tpu.memory_space<vmem>>, vector<10000x32xf32>,
    return
  }
}

module attributes {stable_mosaic.version = 14 : i64} {
  func.func @_tail_body(%arg0: memref<2x10240x32xf32, #tpu.memory_space<vmem>>, %arg1: memref<2x10240xf32, #tpu.memory_space<vmem>>, %arg2: memref<10000x32xf32, #tpu.memory_space<vmem>>, %arg3: memref<1x32xf32, #tpu.memory_space<vmem>>, %arg4: memref<32x128xf32, #tpu.memory_space<vmem>>, %arg5: memref<1x128xf32, #tpu.memory_space<vmem>>, %arg6: memref<1x128xf32, #tpu.memory_space<vmem>>, %arg7: memref<1x128xf32, #tpu.memory_space<vmem>>, %arg8: memref<10000x128xf32, #tpu.memory_space<vmem>>) attributes {dimension_semantics = [], scalar_prefetch = 0 : i64, scratch_operands = 0 : i64, tpu.core_type = #tpu.core_type<tc>} {
    %get3A = arith.constant 0 : index
    %get3A_0 = arith.constant 0 : index
    %get3A_1 = arith.constant 0 : index
    %get3A_2 = vector.load %arg0[%get3A, %get3A_0, %get3A_1] : memref<2x10240x32xf32, #tpu.memory_space<vmem>>, vector<1x10000x32xf32>
    %get3A_3 = vector.shape_cast %get3A_2 : vector<1x10000x32xf32> to vector<10000x32xf32>
    %get3A_4 = arith.constant 1 : index
    %get3A_5 = arith.constant 0 : index
    %get3A_6 = arith.constant 0 : index
    %get3A_7 = vector.load %arg0[%get3A_4, %get3A_5, %get3A_6] : memref<2x10240x32xf32, #tpu.memory_space<vmem>>, vector<1x10000x32xf32>
    %get3A_8 = vector.shape_cast %get3A_7 : vector<1x10000x32xf32> to vector<10000x32xf32>
    %add3A = arith.addf %get3A_3, %get3A_8 : vector<10000x32xf32>
    %get3A_9 = arith.constant 0 : index
    %get3A_10 = arith.constant 0 : index
    %get3A_11 = vector.load %arg1[%get3A_9, %get3A_10] : memref<2x10240xf32, #tpu.memory_space<vmem>>, vector<1x10000xf32>
    %get3A_12 = vector.shape_cast %get3A_11 : vector<1x10000xf32> to vector<10000xf32>
    %get3A_13 = arith.constant 1 : index
    %get3A_14 = arith.constant 0 : index
    %get3A_15 = vector.load %arg1[%get3A_13, %get3A_14] : memref<2x10240xf32, #tpu.memory_space<vmem>>, vector<1x10000xf32>
    %get3A_16 = vector.shape_cast %get3A_15 : vector<1x10000xf32> to vector<10000xf32>
    %add3A_17 = arith.addf %get3A_12, %get3A_16 : vector<10000xf32>
    %max3A = arith.constant 1.000000e+00 : f32
    %max3A_18 = vector.broadcast %max3A : f32 to vector<10000xf32>
    %max3A_19 = arith.maximumf %add3A_17, %max3A_18 : vector<10000xf32>
    %div3A = arith.constant 1.000000e+00 : f32
    %div3A_20 = vector.broadcast %div3A : f32 to vector<10000xf32>
    %div3A_21 = arith.divf %div3A_20, %max3A_19 : vector<10000xf32>
    %broadcast_in_dim3A = vector.shape_cast %div3A_21 : vector<10000xf32> to vector<10000x1xf32>
    %mul3A = vector.broadcast %broadcast_in_dim3A : vector<10000x1xf32> to vector<10000x32xf32>
    %mul3A_22 = arith.mulf %add3A, %mul3A : vector<10000x32xf32>
    %get3A_23 = arith.constant 0 : index
    %get3A_24 = arith.constant 0 : index
    %get3A_25 = vector.load %arg2[%get3A_23, %get3A_24] : memref<10000x32xf32, #tpu.memory_space<vmem>>, vector<10000x32xf32>
    %add3A_26 = arith.addf %mul3A_22, %get3A_25 : vector<10000x32xf32>
    %get3A_27 = arith.constant 0 : index
    %get3A_28 = arith.constant 0 : index
    %get3A_29 = vector.load %arg3[%get3A_27, %get3A_28] : memref<1x32xf32, #tpu.memory_space<vmem>>, vector<1x32xf32>
    %add3A_30 = vector.broadcast %get3A_29 : vector<1x32xf32> to vector<10000x32xf32>
    %add3A_31 = arith.addf %add3A_26, %add3A_30 : vector<10000x32xf32>
    %max3A_32 = arith.constant 0.000000e+00 : f32
    %max3A_33 = vector.broadcast %max3A_32 : f32 to vector<10000x32xf32>
    %max3A_34 = arith.maximumf %add3A_31, %max3A_33 : vector<10000x32xf32>
    %get3A_35 = arith.constant 0 : index
    %get3A_36 = arith.constant 0 : index
    %get3A_37 = vector.load %arg4[%get3A_35, %get3A_36] : memref<32x128xf32, #tpu.memory_space<vmem>>, vector<32x128xf32>
    %dot_general3A = arith.constant dense<0.000000e+00> : vector<10000x128xf32>
    %dot_general3A_38 = tpu.matmul %max3A_34, %get3A_37, %dot_general3A {dimension_numbers = #tpu.dot_dimension_numbers<[1], [0], [0], [1], [0, 0, 1, 1], [], []>, transpose_lhs_hint = false} : vector<10000x32xf32>, vector<32x128xf32>, vector<10000x128xf32> -> vector<10000x128xf32>
    %get3A_39 = arith.constant 0 : index
    %get3A_40 = arith.constant 0 : index
    %get3A_41 = vector.load %arg5[%get3A_39, %get3A_40] : memref<1x128xf32, #tpu.memory_space<vmem>>, vector<1x128xf32>
    %add3A_42 = vector.broadcast %get3A_41 : vector<1x128xf32> to vector<10000x128xf32>
    %add3A_43 = arith.addf %dot_general3A_38, %add3A_42 : vector<10000x128xf32>
    %max3A_44 = arith.constant 0.000000e+00 : f32
    %max3A_45 = vector.broadcast %max3A_44 : f32 to vector<10000x128xf32>
    %max3A_46 = arith.maximumf %add3A_43, %max3A_45 : vector<10000x128xf32>
    %reduce_sum3A = arith.constant dense<0.000000e+00> : vector<128xf32>
    %reduce_sum3A_47 = vector.multi_reduction <add>, %max3A_46, %reduce_sum3A [0] : vector<10000x128xf32> to vector<128xf32>
    %broadcast_in_dim3A_48 = vector.shape_cast %reduce_sum3A_47 : vector<128xf32> to vector<1x128xf32>
    %div3A_49 = arith.constant 1.000000e+04 : f32
    %div3A_50 = vector.broadcast %div3A_49 : f32 to vector<1x128xf32>
    %div3A_51 = arith.divf %broadcast_in_dim3A_48, %div3A_50 : vector<1x128xf32>
    %sub3A = vector.broadcast %div3A_51 : vector<1x128xf32> to vector<10000x128xf32>
    %sub3A_52 = arith.subf %max3A_46, %sub3A : vector<10000x128xf32>
    %integer_pow3A = arith.mulf %sub3A_52, %sub3A_52 : vector<10000x128xf32>
    %reduce_sum3A_53 = arith.constant dense<0.000000e+00> : vector<128xf32>
    %reduce_sum3A_54 = vector.multi_reduction <add>, %integer_pow3A, %reduce_sum3A_53 [0] : vector<10000x128xf32> to vector<128xf32>
    %broadcast_in_dim3A_55 = vector.shape_cast %reduce_sum3A_54 : vector<128xf32> to vector<1x128xf32>
    %div3A_56 = arith.constant 1.000000e+04 : f32
    %div3A_57 = vector.broadcast %div3A_56 : f32 to vector<1x128xf32>
    %div3A_58 = arith.divf %broadcast_in_dim3A_55, %div3A_57 : vector<1x128xf32>
    %sub3A_59 = vector.broadcast %div3A_51 : vector<1x128xf32> to vector<10000x128xf32>
    %sub3A_60 = arith.subf %max3A_46, %sub3A_59 : vector<10000x128xf32>
    %add3A_61 = arith.constant 9.99999974E-6 : f32
    %add3A_62 = vector.broadcast %add3A_61 : f32 to vector<1x128xf32>
    %add3A_63 = arith.addf %div3A_58, %add3A_62 : vector<1x128xf32>
    %rsqrt3A = math.rsqrt %add3A_63 : vector<1x128xf32>
    %mul3A_64 = vector.broadcast %rsqrt3A : vector<1x128xf32> to vector<10000x128xf32>
    %mul3A_65 = arith.mulf %sub3A_60, %mul3A_64 : vector<10000x128xf32>
    %get3A_66 = arith.constant 0 : index
    %get3A_67 = arith.constant 0 : index
    %get3A_68 = vector.load %arg6[%get3A_66, %get3A_67] : memref<1x128xf32, #tpu.memory_space<vmem>>, vector<1x128xf32>
    %mul3A_69 = vector.broadcast %get3A_68 : vector<1x128xf32> to vector<10000x128xf32>
    %mul3A_70 = arith.mulf %mul3A_65, %mul3A_69 : vector<10000x128xf32>
    %get3A_71 = arith.constant 0 : index
    %get3A_72 = arith.constant 0 : index
    %get3A_73 = vector.load %arg7[%get3A_71, %get3A_72] : memref<1x128xf32, #tpu.memory_space<vmem>>, vector<1x128xf32>
    %add3A_74 = vector.broadcast %get3A_73 : vector<1x128xf32> to vector<10000x128xf32>
    %add3A_75 = arith.addf %mul3A_70, %add3A_74 : vector<10000x128xf32>
    %swap3A = arith.constant 0 : index
    %swap3A_76 = arith.constant 0 : index
    %swap3A_77 = vector.load %arg8[%swap3A, %swap3A_76] : memref<10000x128xf32, #tpu.memory_space<vmem>>, vector<10000x128xf32>
    tpu.vector_store %arg8[%swap3A, %swap3A_76], %add3A_75 {strides = array<i32>} : memref<10000x128xf32, #tpu.memory_space<vmem>>, vector<10000x128xf32>,
    return
  }
}

</mosaic_0001>

<sc_bundles>
// kernel: kernel.5.cloned.1.call-start
scs
__scs_entry_jumppad:
0x0: {  	(pc) =	sbr.rel $0x88, $3  }
0x1: {  	(tag) =	ssettag $0x0;
	lr =	simm.s32 $0x1  }
0x2: {  	[smem:$0x3F99] =	sst lr;
	_ =	strace $0xD0000000  }
0x3: {  	_ = 	snop  }
0x4: {  	_ = 	snop  }
0x5: {  	_ = 	snop  }
0x6: {  	_ = 	snop  }
0x7: {  	_ = 	snop  }
__scs_overlays_trampoline_lowered:
0x8: {  	[smem:$0x3FA8] =	sst s0  }
0x9: {  	[smem:$0x3FA9] =	sst s1  }
0xa: {  	[smem:$0x3FAA] =	sst s2  }
0xb: {  	[smem:$0x3FAB] =	sst s3  }
0xc: {  	[smem:$0x3FAC] =	sst s4  }
0xd: {  	[smem:$0x3FAD] =	sst s5  }
0xe: {  	[smem:$0x3FAE] =	sst s6  }
0xf: {  	[smem:$0x3FAF] =	sst s7  }
0x10: {  	[smem:$0x3FB0] =	sst s8  }
0x11: {  	[smem:$0x3FB1] =	sst s9;
	s0 =	simm.s32 @!p0 $0x0  }
0x12: {  	s1 =	sld [smem:$0x3F97];
	s0 =	simm.s32 @p0 $0x1  }
0x13: {  	[smem:$0x3FB2] =	sst s0;
	s0 =	simm.s32 @!p1 $0x0  }
0x14: {  	s2 =	sld [smem:$0x3F96];
	s0 =	simm.s32 @p1 $0x1  }
0x15: {  	[smem:$0x3FB3] =	sst s0;
	s0 =	simm.s32 @!p2 $0x0  }
0x16: {  	s3 =	sld [smem:$0x3FDB];
	s0 =	simm.s32 @p2 $0x1  }
0x17: {  	s4 =	simm.s32 $0x1BF5;
	[smem:$0x3FB5] =	sst s0  }
0x18: {  	s0 =	sld [smem:$0x3F98];
	_ =	swait.ge [sflag:s4], $0x0  }
0x19: {  	s7 =	sld [smem:$0x3F99]  }
0x1a: {  	s8 =	sadd.s32 $0xFFFFE003, lr  }
0x1b: {  	s9 =	sadd.s32 $0xFFFFFEF7, lr;
	s5 =	simm.s32 $0xFFFFFFFF;
	p2 =	slt.u32 s8, $0xFFFFF086  }
0x1c: {  	p1 =	slt.u32 s9, $0xF7A;
	s5 =	simm.s32 @!p2 $0x0  }
0x1d: {  	s5 =	simm.s32 @p1 $0x1;
	p0 =	seq.s32 s7, s2  }
0x1e: {  	s7 =	smul.u32 @!p0 $0xF7A, s2;
	p2 =	seq.s32 @!p0 s5, $0x0  }
0x1f: {  	s9 =	smul.u32 $0xF7A, s1;
	s8 =	simm.s32 @!p0 $0x1BF5;
	p2 =	por !p2, p0  }
0x20: {  	[sflag:s8] =	ssyncset.s32 @!p0 $0xFFFFF086;
	s6 =	sadd.s32 @!p0 s3, s7;
	s7 =	simm.s32 @!p0 $0x108  }
0x21: {  	s3 =	sadd.s32 s3, s9;
	s6 =	sadd.s32 @!p0 $0x88, s6;
	s7 =	simm.s32 @p2 $0x1082  }
0x22: {  	[simem:s7], [sflag:s8] =	dma.local @!p0 [hbm:s6], $0xF7A  }
0x23: {  	s9 =	sor.u32 $0xD0000000, s2;
	s6 =	simm.s32 $0x108;
	_ =	swait.ge @!p0 [sflag:s8], $0x0  }
0x24: {  	s3 =	sadd.s32 $0x88, s3;
	s6 =	simm.s32 @!p1 $0x1082;
	[sflag:s4] =	ssyncset.s32 $0xFFFFF086  }
0x25: {  	[simem:s6], [sflag:s4] =	dma.local [hbm:s3], $0xF7A  }
0x26: {  	[smem:$0x3F99] =	sst s1;
	(tag) =	ssettag s2;
	_ =	strace s9  }
0x27: {  	s1 =	sld [smem:$0x3FA9]  }
0x28: {  	s2 =	sld [smem:$0x3FAA]  }
0x29: {  	s4 =	sld [smem:$0x3FAC]  }
0x2a: {  	p0 =	seq.s32 s5, $0x0;
	s5 =	sld [smem:$0x3FAD]  }
0x2b: {  	s6 =	sld [smem:$0x3FAE]  }
0x2c: {  	s7 =	sld [smem:$0x3FAF]  }
0x2d: {  	s3 =	simm.s32 $0x108;
	s8 =	sld [smem:$0x3FB0]  }
0x2e: {  	s3 =	simm.s32 @!p0 $0x1082;
	s9 =	sld [smem:$0x3FB1]  }
0x2f: {  	lr =	sadd.s32 s0, s3;
	s0 =	sld [smem:$0x3FA8]  }
0x30: {  	s3 =	sld [smem:$0x3FAB]  }
0x31: {  	[smem:$0x3FB4] =	sst s10  }
0x32: {  	s10 =	sld [smem:$0x3FB2];
	_ =	sdelay $0x3  }
0x33: {  	p0 =	seq.s32 s10, $0x1;
	s10 =	sld [smem:$0x3FB4];
	_ =	sdelay $0x3  }
0x34: {  	[smem:$0x3FB4] =	sst s10  }
0x35: {  	s10 =	sld [smem:$0x3FB3];
	_ =	sdelay $0x3  }
0x36: {  	p1 =	seq.s32 s10, $0x1;
	s10 =	sld [smem:$0x3FB4];
	_ =	sdelay $0x3  }
0x37: {  	[smem:$0x3FB4] =	sst s10  }
0x38: {  	s10 =	sld [smem:$0x3FB5]  }
0x39: {  	_ = 	snop;
	(pc) =	sbr.ind lr, $3  }
0x3a: {  	_ = 	snop  }
0x3b: {  	_ = 	snop  }
0x3c: {  	p2 =	seq.s32 s10, $0x1;
	s10 =	sld [smem:$0x3FB4]  }
0x3d: {  	_ =	shalt  }
0x3e: {  	_ =	shalt  }
0x3f: {  	_ =	shalt  }
0x40: {  	_ =	shalt  }
0x41: {  	_ =	shalt  }
0x42: {  	_ =	shalt  }
0x43: {  	_ =	shalt  }
0x44: {  	_ =	shalt  }
0x45: {  	_ =	shalt  }
0x46: {  	_ =	shalt  }
0x47: {  	_ =	shalt  }
0x48: {  	_ =	shalt  }
0x49: {  	_ =	shalt  }
0x4a: {  	_ =	shalt  }
0x4b: {  	_ =	shalt  }
0x4c: {  	_ =	shalt  }
0x4d: {  	_ =	shalt  }
0x4e: {  	_ =	shalt  }
0x4f: {  	_ =	shalt  }
0x50: {  	_ =	shalt  }
0x51: {  	_ =	shalt  }
0x52: {  	_ =	shalt  }
0x53: {  	_ =	shalt  }
0x54: {  	_ =	shalt  }
0x55: {  	_ =	shalt  }
0x56: {  	_ =	shalt  }
0x57: {  	_ =	shalt  }
0x58: {  	_ =	shalt  }
0x59: {  	_ =	shalt  }
0x5a: {  	_ =	shalt  }
0x5b: {  	_ =	shalt  }
0x5c: {  	_ =	shalt  }
0x5d: {  	_ =	shalt  }
0x5e: {  	_ =	shalt  }
0x5f: {  	_ =	shalt  }
0x60: {  	_ =	shalt  }
0x61: {  	_ =	shalt  }
0x62: {  	_ =	shalt  }
0x63: {  	_ =	shalt  }
0x64: {  	_ =	shalt  }
0x65: {  	_ =	shalt  }
0x66: {  	_ =	shalt  }
0x67: {  	_ =	shalt  }
0x68: {  	_ =	shalt  }
0x69: {  	_ =	shalt  }
0x6a: {  	_ =	shalt  }
0x6b: {  	_ =	shalt  }
0x6c: {  	_ =	shalt  }
0x6d: {  	_ =	shalt  }
0x6e: {  	_ =	shalt  }
0x6f: {  	_ =	shalt  }
0x70: {  	_ =	shalt  }
0x71: {  	_ =	shalt  }
0x72: {  	_ =	shalt  }
0x73: {  	_ =	shalt  }
0x74: {  	_ =	shalt  }
0x75: {  	_ =	shalt  }
0x76: {  	_ =	shalt  }
0x77: {  	_ =	shalt  }
0x78: {  	_ =	shalt  }
0x79: {  	_ =	shalt  }
0x7a: {  	_ =	shalt  }
0x7b: {  	_ =	shalt  }
0x7c: {  	_ =	shalt  }
0x7d: {  	_ =	shalt  }
0x7e: {  	_ =	shalt  }
0x7f: {  	_ =	shalt  }
0x80: {  	_ =	shalt  }
0x81: {  	_ =	shalt  }
0x82: {  	_ =	shalt  }
0x83: {  	_ =	shalt  }
0x84: {  	_ =	shalt  }
0x85: {  	_ =	shalt  }
0x86: {  	_ =	shalt  }
0x87: {  	_ =	shalt  }
.Lfunc_end0:
.L_simem_size_0:
called_computation_lowered:
.L_overlay_start_0:
0x88: {  	s2 =	sld [smem:$0x3FD9]  }
0x89: {  	s3 =	sld [smem:$0x3FFE];
	_ =	sdelay $0x1  }
0x8a: {  	s1 =	srdreg.scid  }
0x8b: {  	s0 =	sand.u32 $0x1, s1  }
0x8c: {  	s17 =	sshll.u32 s0, $0xA;
	s2 =	sadd.s32 s3, s2  }
0x8d: {  	s2 =	sadd.s32 s2, s17  }
0x8e: {  	[smem:$0x3FC0] =	sst s2  }
0x8f: {  	_ = 	snop  }
0x90: {  	s2 =	sld [smem:$0x3FD0];
	(tm) =	ssettm $0x1  }
0x91: {  	s18 =	sld [smem:$0x3FFB];
	_ =	sdelay $0x3  }
0x92: {  	_ =	strace s18  }
0x93: {  	s3 =	sld [smem:$0x3FFC];
	_ =	sdelay $0x3  }
0x94: {  	_ =	strace s3  }
0x95: {  	s3 =	sld [smem:$0x3FFD];
	_ =	sdelay $0x3  }
0x96: {  	_ =	strace s3  }
0x97: {  	_ =	strace $0x8FFFFFFF  }
0x98: {  	s19 =	sld [smem:$0x3FDB];
	_ =	sdelay $0x1  }
0x99: {  	s4 =	simm.s32 $_scs_section_size  }
0x9a: {  	s5 =	simm.s32 $_size__tile_overlayer_lowered;
	s6 =	simm.s32 $_tile_overlayer_lowered  }
0x9b: {  	s22 =	simm.s32 $0x1BFF;
	s21 =	sshll.u32 s6, $0x1;
	s3 =	sadd.s32 s4, s19  }
0x9c: {  	s7 =	simm.s32 $0x0;
	s20 =	sshll.u32 s5, $0x1;
	s5 =	sadd.s32 s21, s3  }
0x9d: {  	[timem:s7], [sflag:s22] =	dma.local [hbm:s5], s20  }
0x9e: {  	_ =	swait.ge [sflag:s22], s20  }
0x9f: {  	s4 =	ssub.s32 $0x0, s20;
	[sflag:s22] =	ssyncset.done $0x0  }
0xa0: {  	[sflag:s22] =	ssyncadd.s32 s4;
	_ =	sdelay $0x1  }
0xa1: {  	s23 =	simm.s32 $0x1B8B  }
0xa2: {  	_ =	swait.ge [sflag:s23], $0x1  }
0xa3: {  	[sflag:s23] =	ssyncset.done $0x0  }
0xa4: {  	s25 =	simm.s32 $0x1B8E;
	s24 =	sld [smem:$0x3FFE];
	[sflag:s23] =	ssyncadd.s32 $0xFFFFFFFF  }
0xa5: {  	s26 =	simm.s32 $execute0_lowered;
	[smem:$0x3FD2] =	sst s25  }
0xa6: {  	s5 =	sshll.u32 s26, $0x1;
	_ =	strace $0x80000046;
	[dreg:$0x1] =	wrdreg $0xFFFFFFFF  }
0xa7: {  	s28 =	simm.s32 $_size_execute0_lowered;
	s3 =	sadd.s32 s3, s5;
	[dreg:$0x0] =	wrdreg $0x0  }
0xa8: {  	s5 =	sshll.u32 s28, $0x1;
	[dreg:$0x2] =	wrdreg s3  }
0xa9: {  	[dreg:$0x3] =	wrdreg s5  }
0xaa: {  	[dreg:$0x4] =	wrdreg $0xC0  }
0xab: {  	_ =	task [dreg:s7], $0x5FFFF  }
0xac: {  	[dreg:$0x1] =	wrdreg $0xFFFFFFFF  }
0xad: {  	[dreg:$0x0] =	wrdreg $0x60  }
0xae: {  	[dreg:$0x2] =	wrdreg s24  }
0xaf: {  	[dreg:$0x3] =	wrdreg s2  }
0xb0: {  	[dreg:$0x4] =	wrdreg $0xB2000  }
0xb1: {  	[dreg:$0x5] =	wrdreg $0x102000  }
0xb2: {  	[dreg:$0x6] =	wrdreg $0x9  }
0xb3: {  	_ =	task.clear_ibuf [dreg:s7], $0x7FFFF;
	_ =	strace $0x90000046  }
0xb4: {  	s29 =	simm.s32 $0x9;
	_ =	strace $0x80000048  }
0xb5: {  	_ =	swait.ge [sflag:s29], $0x1  }
0xb6: {  	[sflag:s29] =	ssyncadd.s32 $0xFFFFFFFF  }
0xb7: {  	_ =	strace $0x90000048  }
0xb8: {  	_ =	sfence  }
0xb9: {  	s30 =	sld [smem:$0x0];
	_ =	sdelay $0x2  }
0xba: {  	s31 =	sshll.u32 s1, $0xD;
	s1 =	sshrl.u32 s1, $0x2  }
0xbb: {  	s3 =	sand.u32 $0x4000, s31;
	s1 =	sadd.s32 s1, s30  }
0xbc: {  	s0 =	sor.u32 s3, s0;
	s1 =	sshll.u32 s1, $0x11  }
0xbd: {  	s0 =	sor.u32 s1, s0  }
0xbe: {  	s0 =	sadd.s32 $0x8F2B, s0  }
0xbf: {  	[sflag:s0] =	ssyncadd.remote.s32 $0x1  }
0xc0: {  	_ =	sfence.sel $0xFFFF  }
0xc1: {  	[dreg:$0x0] =	wrdreg $0xFFFFFFFF;
	(pc) =	sbr.abs _section_cstart, $3  }
0xc2: {  	[dreg:$0x1] =	wrdreg $0xFFFFFFFF  }
0xc3: {  	_ =	task.clear_ibuf [dreg:s7], $0x2FFFF;
	_ =	strace $0x9FFFFFFF  }
0xc4: {  	(tm) =	ssettm $0x7FFFFFFF  }
0xc5: {  	_ =	shalt  }
tec
execute0_lowered:
.L_overlay_start_1:
0x0: {  	(tag) =	ssettag $0x1  }
0x1: {  	s7 =	rddreg [dreg:$0x0]  }
0x2: {  	s11 =	rddreg [dreg:$0x1]  }
0x3: {  	s0 =	srdreg.scid;
	s1 =	rddreg [dreg:$0x2]  }
0x4: {  	s21 =	stileid.u32;
	s2 =	rddreg [dreg:$0x3];
	s3 =	simm.s32 $0x0  }
0x5: {  	s16 =	simm.s32 $0x5F80;
	s17 =	simm.s32 $0xAF80;
	s18 =	simm.s32 $0x80  }
0x6: {  	s19 =	simm.s32 $0x4F00;
	s20 =	simm.s32 $0x5F00;
	s23 =	simm.s32 $0x0  }
0x7: {  	s8 =	sand.u32 $0x1, s0;
	[smem:$0x7FF] =	sst s3;
	s14 =	smul.u32 $0x14000, s21  }
0x8: {  	s6 =	sadd.s32 $0x1E600, s7;
	s29 =	smul.u32 $0xA00, s21;
	p0 =	sne.s32 s21, $0x0  }
0x9: {  	s0 =	sshll.u32 s8, $0x4;
	s10 =	smul.u32 $0x500, s8;
	s12 =	ssub.s32 $0x2, s8  }
0xa: {  	s31 =	smul.u32 $0xA000, s8;
	s22 =	sshrl.u32 @!p0 s2, $0x3;
	s4 =	sor.u32 s21, s0  }
0xb: {  	s0 =	rddreg [dreg:$0x4];
	_ =	strace $0x80000047;
	s13 =	sshrl.u32 s12, $0x1  }
0xc: {  	s30 =	sshrl.u32 s14, $0x2;
	s14 =	simm.s32 $0x1;
	s21 =	sshrl.u32 @!p0 s1, $0x3  }
0xd: {  	s5 =	smul.u32 $0x4F0, s4;
	s4 =	sadd.s32 $0xC00, s7;
	s15 =	sadd.s32 s10, s7  }
0xe: {  	s13 =	ssub.s32 s12, s13;
	s10 =	sshrl.u32 s29, $0x2;
	s11 =	sadd.s32 s11, s31  }
0xf: {  	s10 =	sadd.s32 s10, s2;
	s12 =	sadd.s32 $0x1F200, s15;
	s13 =	smax.u32 s13, $0x1  }
0x10: {  	s15 =	simm.s32 $0x2780;
	s9 =	sadd.s32 s5, s7;
	s5 =	sadd.s32 $0x1E800, s7  }
0x11: {  	v0 =	vimm.f32 $1.000000000e+00;
	s7 =	sadd.s32 $0x14800, s9;
	s8 =	sadd.s32 $0xAA00, s9;
	s9 =	sadd.s32 s30, s1  }
.LBB2_1:
0x12: {  	[tilespmem:s3], [sflag:$0x1] =	stream.linear.gather [hbm4b:s7+s3], $0x2780, $0x38;
	[tilespmem:$0x10480] =	vst v63  }
0x13: {  	_ =	swait.ge [sflag:s14], $0x2780  }
0x14: {  	[sflag:s14] =	ssyncset.done $0x0  }
0x15: {  	[sflag:s14] =	ssyncadd.s32 $0xFFFFD880  }
0x16: {  	[tilespmem:s15], [sflag:$0x1] =	stream.linear.gather [hbm4b:s8+s3], $0x2780, $0x38;
	[tilespmem:$0x10480] =	vst v63  }
0x17: {  	_ =	swait.ge [sflag:s14], $0x2780  }
0x18: {  	[sflag:s14] =	ssyncset.done $0x0  }
0x19: {  	[sflag:s14] =	ssyncadd.s32 $0xFFFFD880  }
0x1a: {  	[tilespmem:$0x5F00] =	vst v0  }
0x1b: {  	[tilespmem:$0x5F10] =	vst v0  }
0x1c: {  	[tilespmem:$0x5F20] =	vst v0  }
0x1d: {  	[tilespmem:$0x5F30] =	vst v0  }
0x1e: {  	[tilespmem:$0x5F40] =	vst v0  }
0x1f: {  	[tilespmem:$0x5F50] =	vst v0  }
0x20: {  	[tilespmem:$0x5F60] =	vst v0  }
0x21: {  	[tilespmem:$0x5F70] =	vst v0  }
0x22: {  	[tilespmem:s16], [sflag:$0x1] =	stream.linear.gather [hbm4b:s5+s3], $0x5000, $0x38;
	[tilespmem:$0x10480] =	vst v63  }
0x23: {  	_ =	swait.ge [sflag:s14], $0x5000  }
0x24: {  	[sflag:s14] =	ssyncset.done $0x0  }
0x25: {  	[sflag:s14] =	ssyncadd.s32 $0xFFFFB000  }
0x26: {  	[spmem:s9] =	stream.linear.scatter [tilespmem:s16], [sflag:$0x1], $0x5000, $0x38;
	[tilespmem:$0x10480] =	vst v63  }
0x27: {  	_ =	swait.ge [sflag:s14], $0x5000  }
0x28: {  	[sflag:s14] =	ssyncset.done $0x0  }
0x29: {  	[sflag:s14] =	ssyncadd.s32 $0xFFFFB000  }
0x2a: {  	[tilespmem:s17], [sflag:$0x1] =	stream.linear.gather [hbm4b:s6+s3], $0x280, $0x38;
	[tilespmem:$0x10480] =	vst v63  }
0x2b: {  	_ =	swait.ge [sflag:s14], $0x280  }
0x2c: {  	[sflag:s14] =	ssyncset.done $0x0  }
0x2d: {  	[sflag:s14] =	ssyncadd.s32 $0xFFFFFD80  }
0x2e: {  	[spmem:s10] =	stream.linear.scatter [tilespmem:s17], [sflag:$0x1], $0x280, $0x38;
	[tilespmem:$0x10480] =	vst v63  }
0x2f: {  	_ =	swait.ge [sflag:s14], $0x280  }
0x30: {  	[sflag:s14] =	ssyncset.done $0x0  }
0x31: {  	[sflag:s14] =	ssyncadd.s32 $0xFFFFFD80  }
0x32: {  	s24 =	simm.s32 $0x0;
	[bflag:$0x0] =	sbarrier.arrive $0xFFFF  }
0x33: {  	[tilespmem:s19], [sflag:$0x1] =	stream.indirect.gather [hbm4b:s4+s18], $0x20, s24, s18, $0xb8;
	[tilespmem:$0x10480] =	vst v63  }
0x34: {  	_ =	swait.ge [sflag:s14], $0x1000  }
0x35: {  	[sflag:s14] =	ssyncset.done $0x0  }
0x36: {  	s31 =	simm.s32 $0x2780;
	[sflag:s14] =	ssyncadd.s32 $0xFFFFF000  }
0x37: {  	[spmem:s1] =	stream.indirect.scatter.add.f32 [tilespmem:s19], [sflag:$0x1], $0x20, s31, s18, $0xb8;
	[tilespmem:$0x10480] =	vst v63  }
0x38: {  	_ =	swait.ge [sflag:s14], $0x1000  }
0x39: {  	[sflag:s14] =	ssyncset.done $0x0  }
0x3a: {  	[sflag:s14] =	ssyncadd.s32 $0xFFFFF000  }
0x3b: {  	[spmem:s2] =	stream.indirect.scatter.add.f32 [tilespmem:s20], [sflag:$0x1], $0x1, s31, s18, $0xb8;
	[tilespmem:$0x10480] =	vst v63  }
0x3c: {  	_ =	swait.ge [sflag:s14], $0x80  }
0x3d: {  	s25 =	simm.s32 $0x400;
	s24 =	simm.s32 $0x200;
	[sflag:s14] =	ssyncset.done $0x0  }
.LBB2_2:
0x3e: {  	s26 =	sshra.s32 s24, $0x2  }
0x3f: {  	[sflag:s14] =	ssyncadd.s32 $0xFFFFFF80;
	s24 =	smov.u32 s25;
	s28 =	sadd.s32 $0x200, s25  }
0x40: {  	[tilespmem:s19], [sflag:$0x1] =	stream.indirect.gather [hbm4b:s4+s18], $0x20, s26, s18, $0xb8;
	[tilespmem:$0x10480] =	vst v63  }
0x41: {  	p1 =	sne.s32 s25, $0x9C00;
	_ =	swait.ge [sflag:s14], $0x1000  }
0x42: {  	[sflag:s14] =	ssyncset.done $0x0  }
0x43: {  	s25 =	sadd.s32 $0x2780, s26;
	[sflag:s14] =	ssyncadd.s32 $0xFFFFF000  }
0x44: {  	[spmem:s1] =	stream.indirect.scatter.add.f32 [tilespmem:s19], [sflag:$0x1], $0x20, s25, s18, $0xb8;
	[tilespmem:$0x10480] =	vst v63  }
0x45: {  	_ =	swait.ge [sflag:s14], $0x1000  }
.Ltmp0:
0x46: {  	[sflag:s14] =	ssyncset.done $0x0;
	(pc) =	sbr.rel @p1 .LBB2_2-.Ltmp0, $4  }
0x47: {  	[sflag:s14] =	ssyncadd.s32 $0xFFFFF000  }
0x48: {  	[spmem:s2] =	stream.indirect.scatter.add.f32 [tilespmem:s20], [sflag:$0x1], $0x1, s25, s18, $0xb8;
	[tilespmem:$0x10480] =	vst v63  }
0x49: {  	_ =	swait.ge [sflag:s14], $0x80  }
0x4a: {  	s25 =	smov.u32 s28;
	[sflag:s14] =	ssyncset.done $0x0  }
0x4b: {  	s24 =	sshra.s32 s24, $0x2;
	[sflag:s14] =	ssyncadd.s32 $0xFFFFFF80  }
0x4c: {  	[tilespmem:s19], [sflag:$0x1] =	stream.indirect.gather [hbm4b:s4+s18], $0x20, s24, s18, $0xb8;
	[tilespmem:$0x10480] =	vst v63  }
0x4d: {  	_ =	swait.ge [sflag:s14], $0x1000  }
0x4e: {  	[sflag:s14] =	ssyncset.done $0x0  }
0x4f: {  	s24 =	sadd.s32 $0x2780, s24;
	[sflag:s14] =	ssyncadd.s32 $0xFFFFF000  }
0x50: {  	[spmem:s1] =	stream.indirect.scatter.add.f32 [tilespmem:s19], [sflag:$0x1], $0x20, s24, s18, $0xb8;
	[tilespmem:$0x10480] =	vst v63  }
0x51: {  	_ =	swait.ge [sflag:s14], $0x1000  }
0x52: {  	[sflag:s14] =	ssyncset.done $0x0  }
0x53: {  	[sflag:s14] =	ssyncadd.s32 $0xFFFFF000  }
0x54: {  	[spmem:s2] =	stream.indirect.scatter.add.f32 [tilespmem:s20], [sflag:$0x1], $0x1, s24, s18, $0xb8;
	[tilespmem:$0x10480] =	vst v63  }
0x55: {  	_ =	swait.ge [sflag:s14], $0x80  }
0x56: {  	[sflag:s14] =	ssyncset.done $0x0  }
0x57: {  	[sflag:s14] =	ssyncadd.s32 $0xFFFFFF80  }
0x58: {  	s25 =	simm.s32 @!p0 $0x1;
	s24 =	simm.s32 @!p0 $0x1C01;
	[bflag:$0x0] =	sbarrier.arrive $0xFFFF  }
0x59: {  	[hbm:s11], [sflag:s24] =	dma.local @!p0 [spmem:s21], $0xA000  }
0x5a: {  	s23 =	sadd.s32 $0x1, s23;
	_ =	swait.ge @!p0 [sflag:s25], $0xA000  }
0x5b: {  	p1 =	sne.s32 s23, s13;
	[sflag:s25] =	ssyncset.done @!p0 $0x0  }
.Ltmp1:
0x5c: {  	[sflag:s25] =	ssyncadd.s32 @!p0 $0xFFFF6000;
	(pc) =	sbr.rel @p1 .LBB2_1-.Ltmp1, $4  }
0x5d: {  	[hbm:s12], [sflag:s24] =	dma.local @!p0 [spmem:s22], $0x500  }
0x5e: {  	_ =	swait.ge @!p0 [sflag:s25], $0x500  }
0x5f: {  	[sflag:s25] =	ssyncset.done @!p0 $0x0  }
0x60: {  	[sflag:s25] =	ssyncadd.s32 @!p0 $0xFFFFFB00  }
0x61: {  	_ =	sfence.sel $0x180000  }
0x62: {  	[bflag:$0x0] =	sbarrier.arrive $0xFFFF  }
0x63: {  	_ =	strace $0x90000047  }
0x64: {  	s0 =	sadd.s32 @!p0 $0x100000, s0;
	[bflag:$0x2] =	sbarrier.arrive $0xFFFF  }
0x65: {  	[sflag:s0] =	ssyncadd.tile.s32 @!p0 $0x1;
	_ =	shalt  }
.Lfunc_end2:
_tile_overlayer_lowered:
.L_overlay_start_2:
0x66: {  	(tag) =	ssettag $0x2  }
0x67: {  	s0 =	rddreg [dreg:$0x0];
	s2 =	stileid.u32  }
0x68: {  	s1 =	rddreg [dreg:$0x1];
	p0 =	sne.s32 s2, $0x0  }
0x69: {  	s3 =	rddreg [dreg:$0x2];
	[bflag:$0x3] =	sbarrier.arrive $0xFFFF;
	s2 =	simm.s32 @!p0 $0x1C01  }
0x6a: {  	[timem:s3], [sflag:s2] =	dma.local @!p0 [hbm:s0], s1  }
0x6b: {  	s0 =	simm.s32 @!p0 $0x1  }
0x6c: {  	_ =	swait.ge @!p0 [sflag:s0], s1  }
0x6d: {  	s1 =	ssub.s32 @!p0 $0x0, s1;
	[sflag:s0] =	ssyncset.done @!p0 $0x0  }
0x6e: {  	[sflag:s0] =	ssyncadd.s32 @!p0 s1  }
0x6f: {  	[bflag:$0x3] =	sbarrier.arrive $0xFFFF  }
0x70: {  	_ =	shalt  }

</sc_bundles>
